<compile_context>
chip_gen: v7x
topology: tpu7x:2x2x1
jax: 0.10.2.dev20260603
libtpu: 0.0.44.dev20260713+nightly
codegen_flags: <defaults>
</compile_context>

<pallas_src>
import functools

import jax
import jax.numpy as jnp
from jax.experimental import pallas as pl
from jax.experimental.pallas import tpu as pltpu
from jax.experimental.pallas import tpu_sc as plsc

_IMG_H = 800.0
_IMG_W = 800.0
_PRE = 2000
_POST = 1000
_T = 0.7
_NPAD = 2048
_RB = 128


_SC_D = 128


def _sc_gather_body(nc, bpw, table_hbm, idx_hbm, out_hbm, idx_v, rows_v, sem):
    wid = jax.lax.axis_index("s") * nc + jax.lax.axis_index("c")
    base = wid * bpw
    pltpu.sync_copy(idx_hbm.at[pl.ds(base, bpw)], idx_v)
    pltpu.async_copy(table_hbm.at[idx_v], rows_v, sem).wait()
    pltpu.sync_copy(rows_v, out_hbm.at[pl.ds(base, bpw)])


def _sc_gather_rows(table, idx):
    info = plsc.get_sparse_core_info()
    nw = info.num_cores * info.num_subcores
    bpw = _NPAD // nw
    mesh = plsc.VectorSubcoreMesh(core_axis_name="c", subcore_axis_name="s")
    k = pl.kernel(
        functools.partial(_sc_gather_body, info.num_cores, bpw),
        mesh=mesh,
        out_type=jax.ShapeDtypeStruct((_NPAD, _SC_D), jnp.float32),
        scratch_types=[
            pltpu.VMEM((bpw,), jnp.int32),
            pltpu.VMEM((bpw, _SC_D), jnp.float32),
            pltpu.SemaphoreType.DMA,
        ],
    )
    return k(table, idx)


def _nms_body(brow_ref, bcol_ref, vals_ref, out_ref, s_ref):
    x1r = jnp.clip(brow_ref[0:1, :], 0.0, _IMG_W)
    y1r = jnp.clip(brow_ref[1:2, :], 0.0, _IMG_H)
    x2r = jnp.clip(brow_ref[2:3, :], 0.0, _IMG_W)
    y2r = jnp.clip(brow_ref[3:4, :], 0.0, _IMG_H)
    area_r = (x2r - x1r) * (y2r - y1r)

    def build(rb, carry):
        off = rb * _RB
        x1c = jnp.clip(bcol_ref[pl.ds(off, _RB), 0:1], 0.0, _IMG_W)
        y1c = jnp.clip(bcol_ref[pl.ds(off, _RB), 1:2], 0.0, _IMG_H)
        x2c = jnp.clip(bcol_ref[pl.ds(off, _RB), 2:3], 0.0, _IMG_W)
        y2c = jnp.clip(bcol_ref[pl.ds(off, _RB), 3:4], 0.0, _IMG_H)
        area_c = (x2c - x1c) * (y2c - y1c)
        iw = jnp.clip(jnp.minimum(x2c, x2r) - jnp.maximum(x1c, x1r), 0.0, None)
        ih = jnp.clip(jnp.minimum(y2c, y2r) - jnp.maximum(y1c, y1r), 0.0, None)
        inter = iw * ih
        iou = inter / (area_c + area_r - inter + 1e-9)
        ii = off + jax.lax.broadcasted_iota(jnp.int32, (_RB, _NPAD), 0)
        jj = jax.lax.broadcasted_iota(jnp.int32, (_RB, _NPAD), 1)
        s_ref[pl.ds(off, _RB), :] = jnp.where(
            (iou > _T) & (jj > ii), 1.0, 0.0).astype(jnp.bfloat16)
        return carry

    jax.lax.fori_loop(0, _NPAD // _RB, build, 0)

    def cond(c):
        return c[1] > 0.5

    def body(c):
        k, _ = c
        sup = jnp.dot(k, s_ref[...], preferred_element_type=jnp.float32)
        nk = jnp.where(sup < 0.5, 1.0, 0.0).astype(jnp.bfloat16)
        changed = jnp.max(jnp.abs((nk - k).astype(jnp.float32)))
        return (nk, changed)

    keep0 = jnp.ones((1, _NPAD), jnp.bfloat16)
    keep, _ = jax.lax.while_loop(cond, body, (keep0, jnp.float32(1.0)))

    s = jax.nn.sigmoid(vals_ref[...])
    out_ref[...] = jnp.where(keep > 0.5, s, -1.0)


def kernel(proposals, objectness):
    obj = objectness.reshape(objectness.shape[0], -1)
    scores0 = obj[0]
    boxes0 = proposals[0]
    top_vals, top_idx = jax.lax.top_k(scores0, _PRE)

    pad_n = _NPAD - _PRE
    tbl = jnp.pad(boxes0, ((0, 0), (0, _SC_D - 4)))
    idxp = jnp.pad(top_idx, (0, pad_n))
    rows = _sc_gather_rows(tbl, idxp)
    b = rows[:_PRE, :4]

    vals = jnp.concatenate(
        [top_vals, jnp.full((pad_n,), -1e9, jnp.float32)])[None, :]
    brow = jnp.zeros((8, _NPAD), jnp.float32).at[0:4, :].set(rows[:, :4].T)
    bcol = rows[:, :8]

    nms_scores = pl.pallas_call(
        _nms_body,
        out_shape=jax.ShapeDtypeStruct((1, _NPAD), jnp.float32),
        scratch_shapes=[pltpu.VMEM((_NPAD, _NPAD), jnp.bfloat16)],
    )(brow, bcol, vals)

    nms_s = nms_scores[0, :_PRE]
    final_scores, final_idx = jax.lax.top_k(nms_s, _POST)
    x1 = jnp.clip(b[:, 0], 0.0, _IMG_W)
    y1 = jnp.clip(b[:, 1], 0.0, _IMG_H)
    x2 = jnp.clip(b[:, 2], 0.0, _IMG_W)
    y2 = jnp.clip(b[:, 3], 0.0, _IMG_H)
    bc = jnp.stack([x1, y1, x2, y2], axis=-1)
    final_boxes = bc[final_idx]
    return final_boxes, final_scores

# --- scband reference (transcript-rebuilt; emitter-appended) ---
"""Pipeline reference for scband-region-proposal-network-18159121727680 (READ-ONLY COPY).

The authoritative reference and input builder live on the scoring server;
editing this copy changes nothing except your own understanding.
"""

import jax, jax.numpy as jnp
import numpy as np

IMG_H = 800.0
IMG_W = 800.0
PRE_NMS = 2000
POST_NMS = 1000
NMS_THRESH = 0.7
SCORE_THRESH = 0.0
MIN_SIZE = 1e-3
NUM_ANCHORS = 20000


def setup_inputs(seed: int = 0) -> dict:
    key = jax.random.key(seed)
    k1, k2, k3, k4, k5 = jax.random.split(key, 5)
    A = NUM_ANCHORS
    cx = jax.random.uniform(k1, (1, A)) * IMG_W
    cy = jax.random.uniform(k2, (1, A)) * IMG_H
    w = jax.random.uniform(k3, (1, A)) * 240.0 + 16.0
    h = jax.random.uniform(k4, (1, A)) * 240.0 + 16.0
    proposals = jnp.stack([cx - w / 2, cy - h / 2, cx + w / 2, cy + h / 2], axis=-1)
    objectness = jax.random.normal(k5, (1, A), dtype=jnp.float32)
    return {"proposals": proposals, "objectness": objectness}


def _box_iou(a, b):
    area_a = (a[:, 2] - a[:, 0]) * (a[:, 3] - a[:, 1])
    area_b = (b[:, 2] - b[:, 0]) * (b[:, 3] - b[:, 1])
    lt = jnp.maximum(a[:, None, :2], b[None, :, :2])
    rb = jnp.minimum(a[:, None, 2:], b[None, :, 2:])
    wh = jnp.clip(rb - lt, 0.0, None)
    inter = wh[..., 0] * wh[..., 1]
    return inter / (area_a[:, None] + area_b[None, :] - inter + 1e-9)


def _nms_keep_mask(boxes, scores, thresh):
    # greedy NMS over score-sorted boxes; returns keep mask in original order
    boxes = jax.lax.stop_gradient(boxes)
    scores = jax.lax.stop_gradient(scores)
    N = boxes.shape[0]
    order = jnp.argsort(-scores)
    b = boxes[order]
    iou = _box_iou(b, b)
    idxs = jnp.arange(N)
    keep = jnp.ones((N,), dtype=bool)

    def body(i, keep):
        row = iou[i]
        suppress = (row > thresh) & (idxs > i) & keep[i]
        return keep & (~suppress)

    keep = jax.lax.fori_loop(0, N, body, keep)
    keep_orig = jnp.zeros((N,), dtype=bool).at[order].set(keep)
    return keep_orig


def reference(proposals, objectness):
    # filter_proposals path of the RPN (inference mode), single image, single level
    obj = objectness.reshape(objectness.shape[0], -1)
    scores0 = obj[0]
    boxes0 = proposals[0]
    # pre-NMS top-n per level
    top_vals, top_idx = jax.lax.top_k(scores0, PRE_NMS)
    boxes = boxes0[top_idx]
    scores = jax.nn.sigmoid(top_vals)
    # clip boxes to image
    x1 = jnp.clip(boxes[:, 0], 0.0, IMG_W)
    y1 = jnp.clip(boxes[:, 1], 0.0, IMG_H)
    x2 = jnp.clip(boxes[:, 2], 0.0, IMG_W)
    y2 = jnp.clip(boxes[:, 3], 0.0, IMG_H)
    boxes = jnp.stack([x1, y1, x2, y2], axis=-1)
    # remove small boxes + score threshold (as masks to keep static shapes)
    valid = ((boxes[:, 2] - boxes[:, 0]) >= MIN_SIZE) & ((boxes[:, 3] - boxes[:, 1]) >= MIN_SIZE) & (scores >= SCORE_THRESH)
    masked_scores = jnp.where(valid, scores, -1.0)
    keep = _nms_keep_mask(boxes, masked_scores, NMS_THRESH)
    final_mask = keep & valid
    nms_scores = jnp.where(final_mask, scores, -1.0)
    final_scores, final_idx = jax.lax.top_k(nms_scores, POST_NMS)
    final_boxes = boxes[final_idx]
    return final_boxes, final_scores

if __name__ == "__main__":
    import jax
    _d = setup_inputs()
    print(jax.jit(kernel)(*tuple(_d.values())))

</pallas_src>

<mosaic_0001>
#map = affine_map<(d0, d1) -> (0, 0)>
#map1 = affine_map<(d0, d1) -> (0)>
module attributes {stable_mosaic.version = 14 : i64} {
  func.func @_sc_gather_body(%arg0: i32, %arg1: i32, %arg2: memref<20000x128xf32, #tpu.memory_space<hbm>>, %arg3: memref<2048xi32, #tpu.memory_space<hbm>>, %arg4: memref<2048x128xf32, #tpu.memory_space<hbm>>, %arg5: memref<64xi32, #tpu.memory_space<vmem>>, %arg6: memref<64x128xf32, #tpu.memory_space<vmem>>, %arg7: memref<!tpu.dma_semaphore, #tpu.memory_space<semaphore_mem>>) attributes {dimension_semantics = [#tpu.dimension_semantics<core_parallel>, #tpu.dimension_semantics<subcore_parallel>], iteration_bounds = array<i64: 2, 16>, scalar_prefetch = 0 : i64, scratch_operands = 3 : i64, tpu.core_type = #tpu.core_type<sc_vector_subcore>, window_params = [{transform_indices = #map}, {transform_indices = #map1}, {transform_indices = #map}]} {
    %mul3A = arith.constant 2 : i32
    %mul3A_0 = arith.muli %arg1, %mul3A : i32
    %add3A = arith.addi %mul3A_0, %arg0 : i32
    %mul3A_1 = arith.constant 64 : i32
    %mul3A_2 = arith.muli %add3A, %mul3A_1 : i32
    "tpu.region"() ({
      %run_scoped3A = tpu.sem_alloc : memref<!tpu.dma_semaphore, #tpu.memory_space<semaphore_mem>>
      %dma_start3A_7 = tpu.memref_slice %arg3[%mul3A_2] : memref<2048xi32, #tpu.memory_space<hbm>> -> memref<64xi32, #tpu.memory_space<hbm>>
      %dma_start3A_8 = tpu.memref_slice %arg3[%mul3A_2] : memref<2048xi32, #tpu.memory_space<hbm>> -> memref<64xi32, #tpu.memory_space<hbm>>
      tpu.enqueue_dma source(%dma_start3A_8 : memref<64xi32, #tpu.memory_space<hbm>>) target(%arg5 : memref<64xi32, #tpu.memory_space<vmem>>) target_semaphore(%run_scoped3A : memref<!tpu.dma_semaphore, #tpu.memory_space<semaphore_mem>>)
      %dma_wait3A_9 = tpu.memref_slice %arg3[%mul3A_2] : memref<2048xi32, #tpu.memory_space<hbm>> -> memref<64xi32, #tpu.memory_space<hbm>>
      %dma_wait3A_10 = tpu.memref_slice %arg3[%mul3A_2] : memref<2048xi32, #tpu.memory_space<hbm>> -> memref<64xi32, #tpu.memory_space<hbm>>
      tpu.wait_dma2 semaphore(%run_scoped3A : memref<!tpu.dma_semaphore, #tpu.memory_space<semaphore_mem>>) src(%dma_wait3A_10 : memref<64xi32, #tpu.memory_space<hbm>>) dst(%arg5 : memref<64xi32, #tpu.memory_space<vmem>>)
      tpu.yield
    }) : () -> ()
    %dma_start3A = arith.constant 0 : i32
    %dma_start3A_3 = arith.constant 0 : i32
    %dma_start3A_4 = tpu.memref_slice %arg2[%dma_start3A, %dma_start3A_3] : memref<20000x128xf32, #tpu.memory_space<hbm>> -> memref<20000x128xf32, #tpu.memory_space<hbm>>
    tpu.enqueue_indirect_dma source(%dma_start3A_4 : memref<20000x128xf32, #tpu.memory_space<hbm>>) target(%arg6 : memref<64x128xf32, #tpu.memory_space<vmem>>) offsets(%arg5 : memref<64xi32, #tpu.memory_space<vmem>>) semaphore(%arg7 : memref<!tpu.dma_semaphore, #tpu.memory_space<semaphore_mem>>)
    %dma_wait3A = arith.constant 0 : i32
    %dma_wait3A_5 = arith.constant 0 : i32
    %dma_wait3A_6 = tpu.memref_slice %arg2[%dma_wait3A, %dma_wait3A_5] : memref<20000x128xf32, #tpu.memory_space<hbm>> -> memref<20000x128xf32, #tpu.memory_space<hbm>>
    tpu.wait_indirect_dma semaphore(%arg7 : memref<!tpu.dma_semaphore, #tpu.memory_space<semaphore_mem>>) src(%dma_wait3A_6 : memref<20000x128xf32, #tpu.memory_space<hbm>>) dst(%arg6 : memref<64x128xf32, #tpu.memory_space<vmem>>)
    "tpu.region"() ({
      %run_scoped3A = tpu.sem_alloc : memref<!tpu.dma_semaphore, #tpu.memory_space<semaphore_mem>>
      %dma_start3A_7 = arith.constant 0 : i32
      %dma_start3A_8 = tpu.memref_slice %arg4[%mul3A_2, %dma_start3A_7] : memref<2048x128xf32, #tpu.memory_space<hbm>> -> memref<64x128xf32, #tpu.memory_space<hbm>>
      %dma_start3A_9 = arith.constant 0 : i32
      %dma_start3A_10 = tpu.memref_slice %arg4[%mul3A_2, %dma_start3A_9] : memref<2048x128xf32, #tpu.memory_space<hbm>> -> memref<64x128xf32, #tpu.memory_space<hbm>>
      tpu.enqueue_dma source(%arg6 : memref<64x128xf32, #tpu.memory_space<vmem>>) target(%dma_start3A_10 : memref<64x128xf32, #tpu.memory_space<hbm>>) target_semaphore(%run_scoped3A : memref<!tpu.dma_semaphore, #tpu.memory_space<semaphore_mem>>)
      %dma_wait3A_11 = arith.constant 0 : i32
      %dma_wait3A_12 = tpu.memref_slice %arg4[%mul3A_2, %dma_wait3A_11] : memref<2048x128xf32, #tpu.memory_space<hbm>> -> memref<64x128xf32, #tpu.memory_space<hbm>>
      %dma_wait3A_13 = arith.constant 0 : i32
      %dma_wait3A_14 = tpu.memref_slice %arg4[%mul3A_2, %dma_wait3A_13] : memref<2048x128xf32, #tpu.memory_space<hbm>> -> memref<64x128xf32, #tpu.memory_space<hbm>>
      tpu.wait_dma2 semaphore(%run_scoped3A : memref<!tpu.dma_semaphore, #tpu.memory_space<semaphore_mem>>) src(%arg6 : memref<64x128xf32, #tpu.memory_space<vmem>>) dst(%dma_wait3A_14 : memref<64x128xf32, #tpu.memory_space<hbm>>)
      tpu.yield
    }) : () -> ()
    return
  }
}

module attributes {stable_mosaic.version = 14 : i64} {
  func.func @_nms_body(%arg0: memref<8x2048xf32, #tpu.memory_space<vmem>>, %arg1: memref<2048x8xf32, #tpu.memory_space<vmem>>, %arg2: memref<1x2048xf32, #tpu.memory_space<vmem>>, %arg3: memref<1x2048xf32, #tpu.memory_space<vmem>>, %arg4: memref<2048x2048xbf16, #tpu.memory_space<vmem>>) attributes {dimension_semantics = [], scalar_prefetch = 0 : i64, scratch_operands = 1 : i64, tpu.core_type = #tpu.core_type<tc>} {
    %get3A = arith.constant 0 : index
    %get3A_0 = arith.constant 0 : index
    %get3A_1 = vector.load %arg0[%get3A, %get3A_0] : memref<8x2048xf32, #tpu.memory_space<vmem>>, vector<1x2048xf32>
    %jit3A = arith.constant 0.000000e+00 : f32
    %jit3A_2 = arith.constant 8.000000e+02 : f32
    %max3A = vector.broadcast %jit3A : f32 to vector<1x2048xf32>
    %max3A_3 = arith.maximumf %max3A, %get3A_1 : vector<1x2048xf32>
    %min3A = vector.broadcast %jit3A_2 : f32 to vector<1x2048xf32>
    %min3A_4 = arith.minimumf %min3A, %max3A_3 : vector<1x2048xf32>
    %get3A_5 = arith.constant 1 : index
    %get3A_6 = arith.constant 0 : index
    %get3A_7 = vector.load %arg0[%get3A_5, %get3A_6] : memref<8x2048xf32, #tpu.memory_space<vmem>>, vector<1x2048xf32>
    %jit3A_8 = arith.constant 0.000000e+00 : f32
    %jit3A_9 = arith.constant 8.000000e+02 : f32
    %max3A_10 = vector.broadcast %jit3A_8 : f32 to vector<1x2048xf32>
    %max3A_11 = arith.maximumf %max3A_10, %get3A_7 : vector<1x2048xf32>
    %min3A_12 = vector.broadcast %jit3A_9 : f32 to vector<1x2048xf32>
    %min3A_13 = arith.minimumf %min3A_12, %max3A_11 : vector<1x2048xf32>
    %get3A_14 = arith.constant 2 : index
    %get3A_15 = arith.constant 0 : index
    %get3A_16 = vector.load %arg0[%get3A_14, %get3A_15] : memref<8x2048xf32, #tpu.memory_space<vmem>>, vector<1x2048xf32>
    %jit3A_17 = arith.constant 0.000000e+00 : f32
    %jit3A_18 = arith.constant 8.000000e+02 : f32
    %max3A_19 = vector.broadcast %jit3A_17 : f32 to vector<1x2048xf32>
    %max3A_20 = arith.maximumf %max3A_19, %get3A_16 : vector<1x2048xf32>
    %min3A_21 = vector.broadcast %jit3A_18 : f32 to vector<1x2048xf32>
    %min3A_22 = arith.minimumf %min3A_21, %max3A_20 : vector<1x2048xf32>
    %get3A_23 = arith.constant 3 : index
    %get3A_24 = arith.constant 0 : index
    %get3A_25 = vector.load %arg0[%get3A_23, %get3A_24] : memref<8x2048xf32, #tpu.memory_space<vmem>>, vector<1x2048xf32>
    %jit3A_26 = arith.constant 0.000000e+00 : f32
    %jit3A_27 = arith.constant 8.000000e+02 : f32
    %max3A_28 = vector.broadcast %jit3A_26 : f32 to vector<1x2048xf32>
    %max3A_29 = arith.maximumf %max3A_28, %get3A_25 : vector<1x2048xf32>
    %min3A_30 = vector.broadcast %jit3A_27 : f32 to vector<1x2048xf32>
    %min3A_31 = arith.minimumf %min3A_30, %max3A_29 : vector<1x2048xf32>
    %sub3A = arith.subf %min3A_22, %min3A_4 : vector<1x2048xf32>
    %sub3A_32 = arith.subf %min3A_31, %min3A_13 : vector<1x2048xf32>
    %mul3A = arith.mulf %sub3A, %sub3A_32 : vector<1x2048xf32>
    %scan3A = arith.constant 0 : i32
    %scan3A_33 = arith.constant 16 : i32
    %scan3A_34 = arith.addi %scan3A, %scan3A_33 : i32
    %scan3A_35 = arith.constant 1 : i32
    scf.for %scan3A_53 = %scan3A to %scan3A_34 step %scan3A_35  : i32 {
      %mul3A_54 = arith.constant 128 : i32
      %mul3A_55 = arith.muli %scan3A_53, %mul3A_54 : i32
      %get3A_56 = arith.index_cast %mul3A_55 : i32 to index
      %get3A_57 = arith.constant 0 : index
      %get3A_58 = vector.load %arg1[%get3A_56, %get3A_57] : memref<2048x8xf32, #tpu.memory_space<vmem>>, vector<128x1xf32>
      %jit3A_59 = arith.constant 0.000000e+00 : f32
      %jit3A_60 = arith.constant 8.000000e+02 : f32
      %max3A_61 = vector.broadcast %jit3A_59 : f32 to vector<128x1xf32>
      %max3A_62 = arith.maximumf %max3A_61, %get3A_58 : vector<128x1xf32>
      %min3A_63 = vector.broadcast %jit3A_60 : f32 to vector<128x1xf32>
      %min3A_64 = arith.minimumf %min3A_63, %max3A_62 : vector<128x1xf32>
      %get3A_65 = arith.index_cast %mul3A_55 : i32 to index
      %get3A_66 = arith.constant 1 : index
      %get3A_67 = vector.load %arg1[%get3A_65, %get3A_66] : memref<2048x8xf32, #tpu.memory_space<vmem>>, vector<128x1xf32>
      %jit3A_68 = arith.constant 0.000000e+00 : f32
      %jit3A_69 = arith.constant 8.000000e+02 : f32
      %max3A_70 = vector.broadcast %jit3A_68 : f32 to vector<128x1xf32>
      %max3A_71 = arith.maximumf %max3A_70, %get3A_67 : vector<128x1xf32>
      %min3A_72 = vector.broadcast %jit3A_69 : f32 to vector<128x1xf32>
      %min3A_73 = arith.minimumf %min3A_72, %max3A_71 : vector<128x1xf32>
      %get3A_74 = arith.index_cast %mul3A_55 : i32 to index
      %get3A_75 = arith.constant 2 : index
      %get3A_76 = vector.load %arg1[%get3A_74, %get3A_75] : memref<2048x8xf32, #tpu.memory_space<vmem>>, vector<128x1xf32>
      %jit3A_77 = arith.constant 0.000000e+00 : f32
      %jit3A_78 = arith.constant 8.000000e+02 : f32
      %max3A_79 = vector.broadcast %jit3A_77 : f32 to vector<128x1xf32>
      %max3A_80 = arith.maximumf %max3A_79, %get3A_76 : vector<128x1xf32>
      %min3A_81 = vector.broadcast %jit3A_78 : f32 to vector<128x1xf32>
      %min3A_82 = arith.minimumf %min3A_81, %max3A_80 : vector<128x1xf32>
      %get3A_83 = arith.index_cast %mul3A_55 : i32 to index
      %get3A_84 = arith.constant 3 : index
      %get3A_85 = vector.load %arg1[%get3A_83, %get3A_84] : memref<2048x8xf32, #tpu.memory_space<vmem>>, vector<128x1xf32>
      %jit3A_86 = arith.constant 0.000000e+00 : f32
      %jit3A_87 = arith.constant 8.000000e+02 : f32
      %max3A_88 = vector.broadcast %jit3A_86 : f32 to vector<128x1xf32>
      %max3A_89 = arith.maximumf %max3A_88, %get3A_85 : vector<128x1xf32>
      %min3A_90 = vector.broadcast %jit3A_87 : f32 to vector<128x1xf32>
      %min3A_91 = arith.minimumf %min3A_90, %max3A_89 : vector<128x1xf32>
      %sub3A_92 = arith.subf %min3A_82, %min3A_64 : vector<128x1xf32>
      %sub3A_93 = arith.subf %min3A_91, %min3A_73 : vector<128x1xf32>
      %mul3A_94 = arith.mulf %sub3A_92, %sub3A_93 : vector<128x1xf32>
      %min3A_95 = vector.broadcast %min3A_82 : vector<128x1xf32> to vector<128x2048xf32>
      %min3A_96 = vector.broadcast %min3A_22 : vector<1x2048xf32> to vector<128x2048xf32>
      %min3A_97 = arith.minimumf %min3A_95, %min3A_96 : vector<128x2048xf32>
      %max3A_98 = vector.broadcast %min3A_64 : vector<128x1xf32> to vector<128x2048xf32>
      %max3A_99 = vector.broadcast %min3A_4 : vector<1x2048xf32> to vector<128x2048xf32>
      %max3A_100 = arith.maximumf %max3A_98, %max3A_99 : vector<128x2048xf32>
      %sub3A_101 = arith.subf %min3A_97, %max3A_100 : vector<128x2048xf32>
      %jit3A_102 = arith.constant 0.000000e+00 : f32
      %max3A_103 = vector.broadcast %jit3A_102 : f32 to vector<128x2048xf32>
      %max3A_104 = arith.maximumf %max3A_103, %sub3A_101 : vector<128x2048xf32>
      %min3A_105 = vector.broadcast %min3A_91 : vector<128x1xf32> to vector<128x2048xf32>
      %min3A_106 = vector.broadcast %min3A_31 : vector<1x2048xf32> to vector<128x2048xf32>
      %min3A_107 = arith.minimumf %min3A_105, %min3A_106 : vector<128x2048xf32>
      %max3A_108 = vector.broadcast %min3A_73 : vector<128x1xf32> to vector<128x2048xf32>
      %max3A_109 = vector.broadcast %min3A_13 : vector<1x2048xf32> to vector<128x2048xf32>
      %max3A_110 = arith.maximumf %max3A_108, %max3A_109 : vector<128x2048xf32>
      %sub3A_111 = arith.subf %min3A_107, %max3A_110 : vector<128x2048xf32>
      %jit3A_112 = arith.constant 0.000000e+00 : f32
      %max3A_113 = vector.broadcast %jit3A_112 : f32 to vector<128x2048xf32>
      %max3A_114 = arith.maximumf %max3A_113, %sub3A_111 : vector<128x2048xf32>
      %mul3A_115 = arith.mulf %max3A_104, %max3A_114 : vector<128x2048xf32>
      %add3A = vector.broadcast %mul3A_94 : vector<128x1xf32> to vector<128x2048xf32>
      %add3A_116 = vector.broadcast %mul3A : vector<1x2048xf32> to vector<128x2048xf32>
      %add3A_117 = arith.addf %add3A, %add3A_116 : vector<128x2048xf32>
      %sub3A_118 = arith.subf %add3A_117, %mul3A_115 : vector<128x2048xf32>
      %add3A_119 = arith.constant 9.99999971E-10 : f32
      %add3A_120 = vector.broadcast %add3A_119 : f32 to vector<128x2048xf32>
      %add3A_121 = arith.addf %sub3A_118, %add3A_120 : vector<128x2048xf32>
      %div3A = arith.divf %mul3A_115, %add3A_121 : vector<128x2048xf32>
      %iota3A = tpu.iota {dimensions = array<i32: 0>} : vector<128x2048xi32>
      %add3A_122 = vector.broadcast %mul3A_55 : i32 to vector<128x2048xi32>
      %add3A_123 = arith.addi %add3A_122, %iota3A : vector<128x2048xi32>
      %iota3A_124 = tpu.iota {dimensions = array<i32: 1>} : vector<128x2048xi32>
      %gt3A_125 = arith.constant 0.699999988 : f32
      %gt3A_126 = vector.broadcast %gt3A_125 : f32 to vector<128x2048xf32>
      %gt3A_127 = arith.cmpf ogt, %div3A, %gt3A_126 : vector<128x2048xf32>
      %gt3A_128 = arith.cmpi sgt, %iota3A_124, %add3A_123 : vector<128x2048xi32>
      %and3A = arith.andi %gt3A_127, %gt3A_128 : vector<128x2048xi1>
      %jit3A_129 = arith.constant 1.000000e+00 : f32
      %jit3A_130 = arith.constant 0.000000e+00 : f32
      %broadcast_in_dim3A_131 = vector.broadcast %jit3A_129 : f32 to vector<128x2048xf32>
      %broadcast_in_dim3A_132 = vector.broadcast %jit3A_130 : f32 to vector<128x2048xf32>
      %select_n3A_133 = arith.select %and3A, %broadcast_in_dim3A_131, %broadcast_in_dim3A_132 : vector<128x2048xi1>, vector<128x2048xf32>
      %convert_element_type3A = arith.truncf %select_n3A_133 : vector<128x2048xf32> to vector<128x2048xbf16>
      %swap3A_134 = arith.index_cast %mul3A_55 : i32 to index
      %swap3A_135 = arith.constant 0 : index
      %swap3A_136 = vector.load %arg4[%swap3A_134, %swap3A_135] : memref<2048x2048xbf16, #tpu.memory_space<vmem>>, vector<128x2048xbf16>
      tpu.vector_store %arg4[%swap3A_134, %swap3A_135], %convert_element_type3A {strides = array<i32>} : memref<2048x2048xbf16, #tpu.memory_space<vmem>>, vector<128x2048xbf16>,
    }
    %scan3A_36 = arith.constant 16 : i32
    %broadcast_in_dim3A = arith.constant 1.000000e+00 : bf16
    %broadcast_in_dim3A_37 = vector.broadcast %broadcast_in_dim3A : bf16 to vector<1x2048xbf16>
    %while3A = arith.constant 1.000000e+00 : f32
    %while3A_38:2 = scf.while (%while3A_53 = %broadcast_in_dim3A_37, %while3A_54 = %while3A) : (vector<1x2048xbf16>, f32) -> (vector<1x2048xbf16>, f32) {
      %gt3A_55 = arith.constant 5.000000e-01 : f32
      %gt3A_56 = arith.cmpf ogt, %while3A_54, %gt3A_55 : f32
      scf.condition(%gt3A_56) %while3A_53, %while3A_54 : vector<1x2048xbf16>, f32
    } do {
    ^bb0(%while3A_53: vector<1x2048xbf16>, %while3A_54: f32):
      %get3A_55 = arith.constant 0 : index
      %get3A_56 = arith.constant 0 : index
      %get3A_57 = vector.load %arg4[%get3A_55, %get3A_56] : memref<2048x2048xbf16, #tpu.memory_space<vmem>>, vector<2048x2048xbf16>
      %dot_general3A = arith.constant dense<0.000000e+00> : vector<1x2048xf32>
      %dot_general3A_58 = tpu.matmul %while3A_53, %get3A_57, %dot_general3A {dimension_numbers = #tpu.dot_dimension_numbers<[1], [0], [0], [1], [0, 0, 1, 1], [], []>, transpose_lhs_hint = false} : vector<1x2048xbf16>, vector<2048x2048xbf16>, vector<1x2048xf32> -> vector<1x2048xf32>
      %lt3A = arith.constant 5.000000e-01 : f32
      %lt3A_59 = vector.broadcast %lt3A : f32 to vector<1x2048xf32>
      %lt3A_60 = arith.cmpf olt, %dot_general3A_58, %lt3A_59 : vector<1x2048xf32>
      %jit3A_61 = arith.constant 1.000000e+00 : f32
      %jit3A_62 = arith.constant 0.000000e+00 : f32
      %broadcast_in_dim3A_63 = vector.broadcast %jit3A_61 : f32 to vector<1x2048xf32>
      %broadcast_in_dim3A_64 = vector.broadcast %jit3A_62 : f32 to vector<1x2048xf32>
      %select_n3A_65 = arith.select %lt3A_60, %broadcast_in_dim3A_63, %broadcast_in_dim3A_64 : vector<1x2048xi1>, vector<1x2048xf32>
      %convert_element_type3A = arith.truncf %select_n3A_65 : vector<1x2048xf32> to vector<1x2048xbf16>
      %sub3A_66 = arith.subf %convert_element_type3A, %while3A_53 : vector<1x2048xbf16>
      %convert_element_type3A_67 = arith.extf %sub3A_66 : vector<1x2048xbf16> to vector<1x2048xf32>
      %abs3A = math.absf %convert_element_type3A_67 : vector<1x2048xf32>
      %reduce_max3A = vector.shape_cast %abs3A : vector<1x2048xf32> to vector<1x1x2048xf32>
      %reduce_max3A_68 = arith.constant dense<0xFF800000> : vector<1xf32>
      %reduce_max3A_69 = vector.multi_reduction <maximumf>, %reduce_max3A, %reduce_max3A_68 [1, 2] : vector<1x1x2048xf32> to vector<1xf32>
      %reduce_max3A_70 = vector.shape_cast %reduce_max3A_69 : vector<1xf32> to vector<1x1x1xf32>
      %reduce_max3A_71 = vector.extract %reduce_max3A_70[0, 0, 0] : f32 from vector<1x1x1xf32>
      scf.yield %convert_element_type3A, %reduce_max3A_71 : vector<1x2048xbf16>, f32
    }
    %get3A_39 = arith.constant 0 : index
    %get3A_40 = arith.constant 0 : index
    %get3A_41 = vector.load %arg2[%get3A_39, %get3A_40] : memref<1x2048xf32, #tpu.memory_space<vmem>>, vector<1x2048xf32>
    %logistic3A = arith.negf %get3A_41 : vector<1x2048xf32>
    %logistic3A_42 = math.exp %logistic3A : vector<1x2048xf32>
    %logistic3A_43 = arith.constant 1.000000e+00 : f32
    %logistic3A_44 = vector.broadcast %logistic3A_43 : f32 to vector<1x2048xf32>
    %logistic3A_45 = arith.addf %logistic3A_44, %logistic3A_42 : vector<1x2048xf32>
    %logistic3A_46 = arith.divf %logistic3A_44, %logistic3A_45 : vector<1x2048xf32>
    %gt3A = arith.constant 5.000000e-01 : bf16
    %gt3A_47 = vector.broadcast %gt3A : bf16 to vector<1x2048xbf16>
    %gt3A_48 = arith.cmpf ogt, %while3A_38#0, %gt3A_47 : vector<1x2048xbf16>
    %jit3A_49 = arith.constant -1.000000e+00 : f32
    %broadcast_in_dim3A_50 = vector.broadcast %jit3A_49 : f32 to vector<1x2048xf32>
    %select_n3A = arith.select %gt3A_48, %logistic3A_46, %broadcast_in_dim3A_50 : vector<1x2048xi1>, vector<1x2048xf32>
    %swap3A = arith.constant 0 : index
    %swap3A_51 = arith.constant 0 : index
    %swap3A_52 = vector.load %arg3[%swap3A, %swap3A_51] : memref<1x2048xf32, #tpu.memory_space<vmem>>, vector<1x2048xf32>
    tpu.vector_store %arg3[%swap3A, %swap3A_51], %select_n3A {strides = array<i32>} : memref<1x2048xf32, #tpu.memory_space<vmem>>, vector<1x2048xf32>,
    return
  }
}

</mosaic_0001>

<sc_bundles>
// kernel: kernel.4.cloned.1.call-start
scs
__scs_entry_jumppad:
0x0: {  	(pc) =	sbr.rel $0x88, $3  }
0x1: {  	(tag) =	ssettag $0x0;
	lr =	simm.s32 $0x1  }
0x2: {  	[smem:$0x3F9F] =	sst lr;
	_ =	strace $0xD0000000  }
0x3: {  	_ = 	snop  }
0x4: {  	_ = 	snop  }
0x5: {  	_ = 	snop  }
0x6: {  	_ = 	snop  }
0x7: {  	_ = 	snop  }
__scs_overlays_trampoline_lowered:
0x8: {  	[smem:$0x3FAE] =	sst s0  }
0x9: {  	[smem:$0x3FAF] =	sst s1  }
0xa: {  	[smem:$0x3FB0] =	sst s2  }
0xb: {  	[smem:$0x3FB1] =	sst s3  }
0xc: {  	[smem:$0x3FB2] =	sst s4  }
0xd: {  	[smem:$0x3FB3] =	sst s5  }
0xe: {  	[smem:$0x3FB4] =	sst s6  }
0xf: {  	[smem:$0x3FB5] =	sst s7  }
0x10: {  	[smem:$0x3FB6] =	sst s8  }
0x11: {  	[smem:$0x3FB7] =	sst s9;
	s0 =	simm.s32 @!p0 $0x0  }
0x12: {  	s1 =	sld [smem:$0x3F9D];
	s0 =	simm.s32 @p0 $0x1  }
0x13: {  	[smem:$0x3FB8] =	sst s0;
	s0 =	simm.s32 @!p1 $0x0  }
0x14: {  	s2 =	sld [smem:$0x3F9C];
	s0 =	simm.s32 @p1 $0x1  }
0x15: {  	[smem:$0x3FB9] =	sst s0;
	s0 =	simm.s32 @!p2 $0x0  }
0x16: {  	s3 =	sld [smem:$0x3FDB];
	s0 =	simm.s32 @p2 $0x1  }
0x17: {  	s4 =	simm.s32 $0x1BF5;
	[smem:$0x3FBB] =	sst s0  }
0x18: {  	s0 =	sld [smem:$0x3F9E];
	_ =	swait.ge [sflag:s4], $0x0  }
0x19: {  	s7 =	sld [smem:$0x3F9F]  }
0x1a: {  	s8 =	sadd.s32 $0xFFFFE003, lr  }
0x1b: {  	s9 =	sadd.s32 $0xFFFFFEF7, lr;
	s5 =	simm.s32 $0xFFFFFFFF;
	p2 =	slt.u32 s8, $0xFFFFF086  }
0x1c: {  	p1 =	slt.u32 s9, $0xF7A;
	s5 =	simm.s32 @!p2 $0x0  }
0x1d: {  	s5 =	simm.s32 @p1 $0x1;
	p0 =	seq.s32 s7, s2  }
0x1e: {  	s7 =	smul.u32 @!p0 $0xF7A, s2;
	p2 =	seq.s32 @!p0 s5, $0x0  }
0x1f: {  	s9 =	smul.u32 $0xF7A, s1;
	s8 =	simm.s32 @!p0 $0x1BF5;
	p2 =	por !p2, p0  }
0x20: {  	[sflag:s8] =	ssyncset.s32 @!p0 $0xFFFFF086;
	s6 =	sadd.s32 @!p0 s3, s7;
	s7 =	simm.s32 @!p0 $0x108  }
0x21: {  	s3 =	sadd.s32 s3, s9;
	s6 =	sadd.s32 @!p0 $0x88, s6;
	s7 =	simm.s32 @p2 $0x1082  }
0x22: {  	[simem:s7], [sflag:s8] =	dma.local @!p0 [hbm:s6], $0xF7A  }
0x23: {  	s9 =	sor.u32 $0xD0000000, s2;
	s6 =	simm.s32 $0x108;
	_ =	swait.ge @!p0 [sflag:s8], $0x0  }
0x24: {  	s3 =	sadd.s32 $0x88, s3;
	s6 =	simm.s32 @!p1 $0x1082;
	[sflag:s4] =	ssyncset.s32 $0xFFFFF086  }
0x25: {  	[simem:s6], [sflag:s4] =	dma.local [hbm:s3], $0xF7A  }
0x26: {  	[smem:$0x3F9F] =	sst s1;
	(tag) =	ssettag s2;
	_ =	strace s9  }
0x27: {  	s1 =	sld [smem:$0x3FAF]  }
0x28: {  	s2 =	sld [smem:$0x3FB0]  }
0x29: {  	s4 =	sld [smem:$0x3FB2]  }
0x2a: {  	p0 =	seq.s32 s5, $0x0;
	s5 =	sld [smem:$0x3FB3]  }
0x2b: {  	s6 =	sld [smem:$0x3FB4]  }
0x2c: {  	s7 =	sld [smem:$0x3FB5]  }
0x2d: {  	s3 =	simm.s32 $0x108;
	s8 =	sld [smem:$0x3FB6]  }
0x2e: {  	s3 =	simm.s32 @!p0 $0x1082;
	s9 =	sld [smem:$0x3FB7]  }
0x2f: {  	lr =	sadd.s32 s0, s3;
	s0 =	sld [smem:$0x3FAE]  }
0x30: {  	s3 =	sld [smem:$0x3FB1]  }
0x31: {  	[smem:$0x3FBA] =	sst s10  }
0x32: {  	s10 =	sld [smem:$0x3FB8];
	_ =	sdelay $0x3  }
0x33: {  	p0 =	seq.s32 s10, $0x1;
	s10 =	sld [smem:$0x3FBA];
	_ =	sdelay $0x3  }
0x34: {  	[smem:$0x3FBA] =	sst s10  }
0x35: {  	s10 =	sld [smem:$0x3FB9];
	_ =	sdelay $0x3  }
0x36: {  	p1 =	seq.s32 s10, $0x1;
	s10 =	sld [smem:$0x3FBA];
	_ =	sdelay $0x3  }
0x37: {  	[smem:$0x3FBA] =	sst s10  }
0x38: {  	s10 =	sld [smem:$0x3FBB]  }
0x39: {  	_ = 	snop;
	(pc) =	sbr.ind lr, $3  }
0x3a: {  	_ = 	snop  }
0x3b: {  	_ = 	snop  }
0x3c: {  	p2 =	seq.s32 s10, $0x1;
	s10 =	sld [smem:$0x3FBA]  }
0x3d: {  	_ =	shalt  }
0x3e: {  	_ =	shalt  }
0x3f: {  	_ =	shalt  }
0x40: {  	_ =	shalt  }
0x41: {  	_ =	shalt  }
0x42: {  	_ =	shalt  }
0x43: {  	_ =	shalt  }
0x44: {  	_ =	shalt  }
0x45: {  	_ =	shalt  }
0x46: {  	_ =	shalt  }
0x47: {  	_ =	shalt  }
0x48: {  	_ =	shalt  }
0x49: {  	_ =	shalt  }
0x4a: {  	_ =	shalt  }
0x4b: {  	_ =	shalt  }
0x4c: {  	_ =	shalt  }
0x4d: {  	_ =	shalt  }
0x4e: {  	_ =	shalt  }
0x4f: {  	_ =	shalt  }
0x50: {  	_ =	shalt  }
0x51: {  	_ =	shalt  }
0x52: {  	_ =	shalt  }
0x53: {  	_ =	shalt  }
0x54: {  	_ =	shalt  }
0x55: {  	_ =	shalt  }
0x56: {  	_ =	shalt  }
0x57: {  	_ =	shalt  }
0x58: {  	_ =	shalt  }
0x59: {  	_ =	shalt  }
0x5a: {  	_ =	shalt  }
0x5b: {  	_ =	shalt  }
0x5c: {  	_ =	shalt  }
0x5d: {  	_ =	shalt  }
0x5e: {  	_ =	shalt  }
0x5f: {  	_ =	shalt  }
0x60: {  	_ =	shalt  }
0x61: {  	_ =	shalt  }
0x62: {  	_ =	shalt  }
0x63: {  	_ =	shalt  }
0x64: {  	_ =	shalt  }
0x65: {  	_ =	shalt  }
0x66: {  	_ =	shalt  }
0x67: {  	_ =	shalt  }
0x68: {  	_ =	shalt  }
0x69: {  	_ =	shalt  }
0x6a: {  	_ =	shalt  }
0x6b: {  	_ =	shalt  }
0x6c: {  	_ =	shalt  }
0x6d: {  	_ =	shalt  }
0x6e: {  	_ =	shalt  }
0x6f: {  	_ =	shalt  }
0x70: {  	_ =	shalt  }
0x71: {  	_ =	shalt  }
0x72: {  	_ =	shalt  }
0x73: {  	_ =	shalt  }
0x74: {  	_ =	shalt  }
0x75: {  	_ =	shalt  }
0x76: {  	_ =	shalt  }
0x77: {  	_ =	shalt  }
0x78: {  	_ =	shalt  }
0x79: {  	_ =	shalt  }
0x7a: {  	_ =	shalt  }
0x7b: {  	_ =	shalt  }
0x7c: {  	_ =	shalt  }
0x7d: {  	_ =	shalt  }
0x7e: {  	_ =	shalt  }
0x7f: {  	_ =	shalt  }
0x80: {  	_ =	shalt  }
0x81: {  	_ =	shalt  }
0x82: {  	_ =	shalt  }
0x83: {  	_ =	shalt  }
0x84: {  	_ =	shalt  }
0x85: {  	_ =	shalt  }
0x86: {  	_ =	shalt  }
0x87: {  	_ =	shalt  }
.Lfunc_end0:
.L_simem_size_0:
called_computation_lowered:
.L_overlay_start_0:
0x88: {  	s2 =	sld [smem:$0x3FD9]  }
0x89: {  	s3 =	sld [smem:$0x3FFE];
	_ =	sdelay $0x1  }
0x8a: {  	s1 =	srdreg.scid  }
0x8b: {  	s0 =	sand.u32 $0x1, s1  }
0x8c: {  	s14 =	sshll.u32 s0, $0xA;
	s2 =	sadd.s32 s3, s2  }
0x8d: {  	s2 =	sadd.s32 s2, s14  }
0x8e: {  	[smem:$0x3FC6] =	sst s2  }
0x8f: {  	_ = 	snop  }
0x90: {  	s2 =	sld [smem:$0x3FD0];
	_ =	sdelay $0x2  }
0x91: {  	s15 =	simm.s32 $0xA;
	s4 =	simm.s32 $0x10  }
0x92: {  	[smem:s4], [sflag:s15] =	dma.local [hbm:s2], $0x1  }
0x93: {  	_ =	swait.eq [sflag:s15], $0x1  }
0x94: {  	[sflag:s15] =	ssyncset.done $0x0  }
0x95: {  	[sflag:s15] =	ssyncadd.s32 $0xFFFFFFFF  }
0x96: {  	s16 =	sld [smem:$0x10];
	(tm) =	ssettm $0x1  }
0x97: {  	s17 =	sld [smem:$0x3FFB];
	_ =	sdelay $0x3  }
0x98: {  	_ =	strace s17  }
0x99: {  	s3 =	sld [smem:$0x3FFC];
	_ =	sdelay $0x3  }
0x9a: {  	_ =	strace s3  }
0x9b: {  	s3 =	sld [smem:$0x3FFD];
	_ =	sdelay $0x3  }
0x9c: {  	_ =	strace s3  }
0x9d: {  	_ =	strace $0x8FFFFFFF  }
0x9e: {  	s18 =	sld [smem:$0x3FDB];
	_ =	sdelay $0x1  }
0x9f: {  	s19 =	simm.s32 $_scs_section_size  }
0xa0: {  	s5 =	simm.s32 $_size__tile_overlayer_lowered;
	s6 =	simm.s32 $_tile_overlayer_lowered  }
0xa1: {  	s22 =	simm.s32 $0x1BFF;
	s21 =	sshll.u32 s6, $0x1;
	s3 =	sadd.s32 s19, s18  }
0xa2: {  	s7 =	simm.s32 $0x0;
	s20 =	sshll.u32 s5, $0x1;
	s5 =	sadd.s32 s21, s3  }
0xa3: {  	[timem:s7], [sflag:s22] =	dma.local [hbm:s5], s20  }
0xa4: {  	_ =	swait.ge [sflag:s22], s20  }
0xa5: {  	s4 =	ssub.s32 $0x0, s20;
	[sflag:s22] =	ssyncset.done $0x0  }
0xa6: {  	[sflag:s22] =	ssyncadd.s32 s4;
	_ =	sdelay $0x1  }
0xa7: {  	s23 =	simm.s32 $0x1B8B  }
0xa8: {  	_ =	swait.ge [sflag:s23], $0x1  }
0xa9: {  	[sflag:s23] =	ssyncset.done $0x0  }
0xaa: {  	s25 =	simm.s32 $0x1B8E;
	s24 =	sld [smem:$0x3FFE];
	[sflag:s23] =	ssyncadd.s32 $0xFFFFFFFF  }
0xab: {  	s26 =	simm.s32 $execute0_lowered;
	[smem:$0x3FD2] =	sst s25  }
0xac: {  	s5 =	sshll.u32 s26, $0x1;
	_ =	strace $0x80000046;
	[dreg:$0x1] =	wrdreg $0xFFFFFFFF  }
0xad: {  	s28 =	simm.s32 $_size_execute0_lowered;
	s3 =	sadd.s32 s3, s5;
	[dreg:$0x0] =	wrdreg $0x0  }
0xae: {  	s5 =	sshll.u32 s28, $0x1;
	[dreg:$0x2] =	wrdreg s3  }
0xaf: {  	[dreg:$0x3] =	wrdreg s5  }
0xb0: {  	[dreg:$0x4] =	wrdreg $0xC0  }
0xb1: {  	_ =	task [dreg:s7], $0x5FFFF  }
0xb2: {  	[dreg:$0x1] =	wrdreg $0xFFFFFFFF  }
0xb3: {  	[dreg:$0x0] =	wrdreg $0x60  }
0xb4: {  	[dreg:$0x2] =	wrdreg s24  }
0xb5: {  	[dreg:$0x3] =	wrdreg s16  }
0xb6: {  	[dreg:$0x4] =	wrdreg $0x9  }
0xb7: {  	_ =	task.clear_ibuf [dreg:s7], $0x5FFFF;
	_ =	strace $0x90000046  }
0xb8: {  	s29 =	simm.s32 $0x9;
	_ =	strace $0x80000048  }
0xb9: {  	_ =	swait.ge [sflag:s29], $0x1  }
0xba: {  	[sflag:s29] =	ssyncadd.s32 $0xFFFFFFFF  }
0xbb: {  	_ =	strace $0x90000048  }
0xbc: {  	_ =	sfence  }
0xbd: {  	s30 =	sld [smem:$0x0];
	_ =	sdelay $0x2  }
0xbe: {  	s31 =	sshll.u32 s1, $0xD;
	s1 =	sshrl.u32 s1, $0x2  }
0xbf: {  	s3 =	sand.u32 $0x4000, s31;
	s1 =	sadd.s32 s1, s30  }
0xc0: {  	s0 =	sor.u32 s3, s0;
	s1 =	sshll.u32 s1, $0x11  }
0xc1: {  	s0 =	sor.u32 s1, s0  }
0xc2: {  	s0 =	sadd.s32 $0x8F2B, s0  }
0xc3: {  	[sflag:s0] =	ssyncadd.remote.s32 $0x1  }
0xc4: {  	_ =	sfence.sel $0xFFFF  }
0xc5: {  	[dreg:$0x0] =	wrdreg $0xFFFFFFFF;
	(pc) =	sbr.abs _section_cstart, $3  }
0xc6: {  	[dreg:$0x1] =	wrdreg $0xFFFFFFFF  }
0xc7: {  	_ =	task.clear_ibuf [dreg:s7], $0x2FFFF;
	_ =	strace $0x9FFFFFFF  }
0xc8: {  	(tm) =	ssettm $0x7FFFFFFF  }
0xc9: {  	_ =	shalt  }
tec
execute0_lowered:
.L_overlay_start_1:
0x0: {  	(tag) =	ssettag $0x1  }
0x1: {  	s1 =	srdreg.scid;
	s2 =	rddreg [dreg:$0x0]  }
0x2: {  	s0 =	stileid.u32;
	s4 =	rddreg [dreg:$0x1];
	s6 =	sand.u32 $0x1, s1  }
0x3: {  	s3 =	simm.s32 $0x0;
	s5 =	sshll.u32 s0, $0x7;
	s7 =	sshll.u32 s6, $0x6  }
0x4: {  	[smem:$0x7FF] =	sst s3;
	s9 =	sor.u32 s7, s5  }
0x5: {  	s1 =	rddreg [dreg:$0x2];
	_ =	strace $0x80000047;
	s5 =	sshrl.u32 s9, $0x3  }
0x6: {  	s10 =	ssub.s32 $0x2, s6;
	s5 =	sadd.s32 s4, s5;
	s4 =	simm.s32 $0x2  }
0x7: {  	[tilespmem:s3], [sflag:$0x2] =	stream.linear.gather [hbm4b:s5+s3], $0x40, $0x38;
	[tilespmem:$0x2080] =	vst v63  }
0x8: {  	s8 =	simm.s32 $0x1;
	s11 =	sshrl.u32 s10, $0x1;
	_ =	swait.ge [sflag:s4], $0x40  }
0x9: {  	s6 =	simm.s32 $0x40;
	s10 =	ssub.s32 s10, s11;
	[sflag:s4] =	ssyncset.done $0x0  }
0xa: {  	s7 =	simm.s32 $0x80;
	s10 =	smax.u32 s10, $0x1;
	[sflag:s4] =	ssyncadd.s32 $0xFFFFFFC0  }
0xb: {  	[tilespmem:s7], [sflag:$0x1] =	stream.indirect.gather [hbm4b:s2+s6], $0x80, s3, s6, $0xb8;
	[tilespmem:$0x2080] =	vst v63  }
0xc: {  	s9 =	sshll.u32 s9, $0x4;
	p0 =	sne.s32 s10, $0x1;
	_ =	swait.ge [sflag:s8], $0x2000  }
.Ltmp0:
0xd: {  	s9 =	sadd.s32 s9, s2;
	[sflag:s8] =	ssyncset.done $0x0;
	(pc) =	sbr.rel @!p0 .LBB2_2-.Ltmp0, $4  }
0xe: {  	s9 =	sadd.s32 $0x4E200, s9;
	[sflag:s8] =	ssyncadd.s32 $0xFFFFE000  }
0xf: {  	[hbm4b:s9+s3] =	stream.linear.scatter [tilespmem:s7], [sflag:$0x2], $0x2000, $0x38;
	[tilespmem:$0x2080] =	vst v63  }
0x10: {  	_ =	swait.ge [sflag:s4], $0x2000  }
0x11: {  	s10 =	sadd.s32 $0xFFFFFFFF, s10;
	[sflag:s4] =	ssyncset.done $0x0  }
.LBB2_1:
0x12: {  	p0 =	sne.s32 s10, $0x1;
	s10 =	sadd.s32 $0xFFFFFFFF, s10;
	[sflag:s4] =	ssyncadd.s32 $0xFFFFE000  }
0x13: {  	[tilespmem:s3], [sflag:$0x2] =	stream.linear.gather [hbm4b:s5+s3], $0x40, $0x38;
	[tilespmem:$0x2080] =	vst v63  }
0x14: {  	_ =	swait.ge [sflag:s4], $0x40  }
0x15: {  	[sflag:s4] =	ssyncset.done $0x0  }
0x16: {  	[sflag:s4] =	ssyncadd.s32 $0xFFFFFFC0  }
0x17: {  	[tilespmem:s7], [sflag:$0x1] =	stream.indirect.gather [hbm4b:s2+s6], $0x80, s3, s6, $0xb8;
	[tilespmem:$0x2080] =	vst v63  }
0x18: {  	_ =	swait.ge [sflag:s8], $0x2000  }
.Ltmp1:
0x19: {  	[sflag:s8] =	ssyncset.done $0x0;
	(pc) =	sbr.rel @p0 .LBB2_1-.Ltmp1, $4  }
0x1a: {  	[sflag:s8] =	ssyncadd.s32 $0xFFFFE000  }
0x1b: {  	[hbm4b:s9+s3] =	stream.linear.scatter [tilespmem:s7], [sflag:$0x2], $0x2000, $0x38;
	[tilespmem:$0x2080] =	vst v63  }
0x1c: {  	_ =	swait.ge [sflag:s4], $0x2000  }
0x1d: {  	[sflag:s4] =	ssyncset.done $0x0  }
.LBB2_2:
0x1e: {  	[sflag:s4] =	ssyncadd.s32 $0xFFFFE000  }
0x1f: {  	_ =	sfence.sel $0x180000  }
0x20: {  	[bflag:$0x0] =	sbarrier.arrive $0xFFFF  }
0x21: {  	p0 =	sne.s32 s0, $0x0;
	_ =	strace $0x90000047  }
0x22: {  	s0 =	sadd.s32 @!p0 $0x100000, s1;
	[bflag:$0x2] =	sbarrier.arrive $0xFFFF  }
0x23: {  	[sflag:s0] =	ssyncadd.tile.s32 @!p0 $0x1;
	_ =	shalt  }
.Lfunc_end2:
_tile_overlayer_lowered:
.L_overlay_start_2:
0x24: {  	(tag) =	ssettag $0x2  }
0x25: {  	s0 =	rddreg [dreg:$0x0];
	s2 =	stileid.u32  }
0x26: {  	s1 =	rddreg [dreg:$0x1];
	p0 =	sne.s32 s2, $0x0  }
0x27: {  	s3 =	rddreg [dreg:$0x2];
	[bflag:$0x3] =	sbarrier.arrive $0xFFFF;
	s2 =	simm.s32 @!p0 $0x1C02  }
0x28: {  	[timem:s3], [sflag:s2] =	dma.local @!p0 [hbm:s0], s1  }
0x29: {  	s0 =	simm.s32 @!p0 $0x2  }
0x2a: {  	_ =	swait.ge @!p0 [sflag:s0], s1  }
0x2b: {  	s1 =	ssub.s32 @!p0 $0x0, s1;
	[sflag:s0] =	ssyncset.done @!p0 $0x0  }
0x2c: {  	[sflag:s0] =	ssyncadd.s32 @!p0 s1  }
0x2d: {  	[bflag:$0x3] =	sbarrier.arrive $0xFFFF  }
0x2e: {  	_ =	shalt  }

</sc_bundles>
